<compile_context>
chip_gen: v7x
topology: tpu7x:2x2x1
jax: 0.10.2.dev20260603
libtpu: 0.0.44.dev20260713+nightly
codegen_flags: <defaults>
</compile_context>

<pallas_src>
import functools

import jax
import jax.numpy as jnp
from jax import lax
from jax.experimental import pallas as pl
from jax.experimental.pallas import tpu as pltpu
from jax.experimental.pallas import tpu_sc as plsc

VOCAB = 100000
EMBED_DIM = 64
RANK = 128
SCALE = 2.0


_MERGE_BLK = 10000


def _merge_body(scale_ref, w_ref, a_ref, b_ref, out_ref):
    delta = jnp.dot(a_ref[...], b_ref[...], preferred_element_type=jnp.float32)
    merged = w_ref[...] + scale_ref[0] * delta
    m3 = merged.reshape(_MERGE_BLK // 2, 2, EMBED_DIM)
    out_ref[:, 0:EMBED_DIM] = m3[:, 0, :]
    out_ref[:, EMBED_DIM:2 * EMBED_DIM] = m3[:, 1, :]


def _merged_table(weight, lora_A, lora_B, scale):
    grid = VOCAB // _MERGE_BLK
    return pl.pallas_call(
        _merge_body,
        grid=(grid,),
        in_specs=[
            pl.BlockSpec(memory_space=pltpu.SMEM),
            pl.BlockSpec((_MERGE_BLK, EMBED_DIM), lambda i: (i, 0)),
            pl.BlockSpec((_MERGE_BLK, RANK), lambda i: (i, 0)),
            pl.BlockSpec((RANK, EMBED_DIM), lambda i: (0, 0)),
        ],
        out_specs=pl.BlockSpec((_MERGE_BLK // 2, 2 * EMBED_DIM), lambda i: (i, 0)),
        out_shape=jax.ShapeDtypeStruct((VOCAB // 2, 2 * EMBED_DIM), jnp.float32),
    )(scale, weight, lora_A, lora_B)



_NC, _NS = 2, 16
_NW = _NC * _NS
_B = 4096 * 200
_B_PER_W = _B // _NW
_CHUNK = 512
_NCHUNK = _B_PER_W // _CHUNK
_NPAIR = _NCHUNK // 2


def _gather_body(table_hbm, idx_hbm, out_hbm,
                 idx_v0, idx_v1, rows_v0, rows_v1, sem0, sem1):
    wid = lax.axis_index("s") * _NC + lax.axis_index("c")
    base = wid * _B_PER_W

    def load_idx(i, iv):
        pltpu.sync_copy(idx_hbm.at[pl.ds(base + i * _CHUNK, _CHUNK)], iv)

    def start_gather(iv, rv, sem):
        return pltpu.async_copy(table_hbm.at[iv], rv, sem)

    def write_out(i, rv):
        pltpu.sync_copy(
            rv, out_hbm.at[pl.ds(base + i * _CHUNK, _CHUNK), pl.ds(0, EMBED_DIM)])

    load_idx(0, idx_v0)
    start_gather(idx_v0, rows_v0, sem0)

    def pair(j, carry):
        i0 = 2 * j

        load_idx(i0 + 1, idx_v1)
        pltpu.make_async_copy(table_hbm.at[idx_v0], rows_v0, sem0).wait()
        start_gather(idx_v1, rows_v1, sem1)
        write_out(i0, rows_v0)

        @pl.when(j < _NPAIR - 1)
        def _():
            load_idx(i0 + 2, idx_v0)
        pltpu.make_async_copy(table_hbm.at[idx_v1], rows_v1, sem1).wait()

        @pl.when(j < _NPAIR - 1)
        def _():
            start_gather(idx_v0, rows_v0, sem0)
        write_out(i0 + 1, rows_v1)
        return carry

    lax.fori_loop(0, _NPAIR, pair, 0)


@functools.lru_cache(maxsize=1)
def _make_gather():
    return pl.kernel(
        _gather_body,
        out_type=jax.ShapeDtypeStruct((_B, 2 * EMBED_DIM), jnp.float32),
        mesh=plsc.VectorSubcoreMesh(core_axis_name="c", subcore_axis_name="s"),
        scratch_types=[
            pltpu.VMEM((_CHUNK,), jnp.int32),
            pltpu.VMEM((_CHUNK,), jnp.int32),
            pltpu.VMEM((_CHUNK, EMBED_DIM), jnp.float32),
            pltpu.VMEM((_CHUNK, EMBED_DIM), jnp.float32),
            pltpu.SemaphoreType.DMA,
            pltpu.SemaphoreType.DMA,
        ],
        compiler_params=pltpu.CompilerParams(use_tc_tiling_on_sc=False),
    )


def kernel(x, enabled_lora, weight, lora_A, lora_B):
    scale = jnp.where(enabled_lora, jnp.float32(SCALE), jnp.float32(0.0))
    table = _merged_table(weight, lora_A, lora_B, scale.reshape(1))
    out = _make_gather()(table.reshape(VOCAB, EMBED_DIM), x.reshape(-1))
    return out[:, :EMBED_DIM].reshape(x.shape + (EMBED_DIM,))

# --- scband reference (transcript-rebuilt; emitter-appended) ---
"""Pipeline reference for scband-embedding-lora-layer-38895223832583 (READ-ONLY COPY).

The authoritative reference and input builder live on the scoring server;
editing this copy changes nothing except your own understanding.
"""

import jax, jax.numpy as jnp
import numpy as np

VOCAB = 100000
EMBED_DIM = 64
RANK = 128
PADDING_IDX = 0
SCALE = 2.0


def setup_inputs(seed: int = 0) -> dict:
    key = jax.random.key(seed)
    k1, k2, k3, k4 = jax.random.split(key, 4)
    x = jax.random.randint(k1, (4096, 200), 0, VOCAB, dtype=jnp.int64 if jax.config.jax_enable_x64 else jnp.int32).astype(jnp.int32)
    weight = jax.random.normal(k2, (VOCAB, EMBED_DIM), dtype=jnp.float32)
    lora_A = (jax.random.normal(k3, (VOCAB, RANK), dtype=jnp.float32) * 0.01).astype(jnp.bfloat16)
    lora_B = jax.random.normal(k4, (RANK, EMBED_DIM), dtype=jnp.float32).astype(jnp.bfloat16)
    return {"x": x, "enabled_lora": True, "weight": weight, "lora_A": lora_A, "lora_B": lora_B}


def reference(x, enabled_lora, weight, lora_A, lora_B):
    # F.embedding(x, weight, padding_idx) -> gather rows (padding_idx only affects grads)
    result = jnp.take(weight, x, axis=0)
    after_A = jnp.take(lora_A, x, axis=0)           # [B, L, r] bf16 gather
    delta = after_A @ lora_B                         # [B, L, d] bf16 matmul
    result = jnp.where(enabled_lora, result + SCALE * delta.astype(jnp.float32), result)
    return result

if __name__ == "__main__":
    import jax
    _d = setup_inputs()
    print(jax.jit(kernel)(*tuple(_d.values())))

</pallas_src>

<mosaic_0001>
#map = affine_map<(d0, d1) -> (0, 0)>
#map1 = affine_map<(d0, d1) -> (0)>
module attributes {stable_mosaic.version = 14 : i64} {
  func.func @_gather_body(%arg0: i32, %arg1: i32, %arg2: memref<100000x64xf32, #tpu.memory_space<hbm>>, %arg3: memref<819200xi32, #tpu.memory_space<hbm>>, %arg4: memref<819200x128xf32, #tpu.memory_space<hbm>>, %arg5: memref<512xi32, #tpu.memory_space<vmem>>, %arg6: memref<512xi32, #tpu.memory_space<vmem>>, %arg7: memref<512x64xf32, #tpu.memory_space<vmem>>, %arg8: memref<512x64xf32, #tpu.memory_space<vmem>>, %arg9: memref<!tpu.dma_semaphore, #tpu.memory_space<semaphore_mem>>, %arg10: memref<!tpu.dma_semaphore, #tpu.memory_space<semaphore_mem>>) attributes {dimension_semantics = [#tpu.dimension_semantics<core_parallel>, #tpu.dimension_semantics<subcore_parallel>], iteration_bounds = array<i64: 2, 16>, scalar_prefetch = 0 : i64, scratch_operands = 6 : i64, tpu.core_type = #tpu.core_type<sc_vector_subcore>, window_params = [{transform_indices = #map}, {transform_indices = #map1}, {transform_indices = #map}]} {
    %mul3A = arith.constant 2 : i32
    %mul3A_0 = arith.muli %arg1, %mul3A : i32
    %add3A = arith.addi %mul3A_0, %arg0 : i32
    %mul3A_1 = arith.constant 25600 : i32
    %mul3A_2 = arith.muli %add3A, %mul3A_1 : i32
    %add3A_3 = arith.constant 0 : i32
    %add3A_4 = arith.addi %mul3A_2, %add3A_3 : i32
    "tpu.region"() ({
      %run_scoped3A = tpu.sem_alloc : memref<!tpu.dma_semaphore, #tpu.memory_space<semaphore_mem>>
      %dma_start3A_12 = tpu.memref_slice %arg3[%add3A_4] : memref<819200xi32, #tpu.memory_space<hbm>> -> memref<512xi32, #tpu.memory_space<hbm>>
      %dma_start3A_13 = tpu.memref_slice %arg3[%add3A_4] : memref<819200xi32, #tpu.memory_space<hbm>> -> memref<512xi32, #tpu.memory_space<hbm>>
      tpu.enqueue_dma source(%dma_start3A_13 : memref<512xi32, #tpu.memory_space<hbm>>) target(%arg5 : memref<512xi32, #tpu.memory_space<vmem>>) target_semaphore(%run_scoped3A : memref<!tpu.dma_semaphore, #tpu.memory_space<semaphore_mem>>)
      %dma_wait3A = tpu.memref_slice %arg3[%add3A_4] : memref<819200xi32, #tpu.memory_space<hbm>> -> memref<512xi32, #tpu.memory_space<hbm>>
      %dma_wait3A_14 = tpu.memref_slice %arg3[%add3A_4] : memref<819200xi32, #tpu.memory_space<hbm>> -> memref<512xi32, #tpu.memory_space<hbm>>
      tpu.wait_dma2 semaphore(%run_scoped3A : memref<!tpu.dma_semaphore, #tpu.memory_space<semaphore_mem>>) src(%dma_wait3A_14 : memref<512xi32, #tpu.memory_space<hbm>>) dst(%arg5 : memref<512xi32, #tpu.memory_space<vmem>>)
      tpu.yield
    }) : () -> ()
    %dma_start3A = arith.constant 0 : i32
    %dma_start3A_5 = arith.constant 0 : i32
    %dma_start3A_6 = tpu.memref_slice %arg2[%dma_start3A, %dma_start3A_5] : memref<100000x64xf32, #tpu.memory_space<hbm>> -> memref<100000x64xf32, #tpu.memory_space<hbm>>
    tpu.enqueue_indirect_dma source(%dma_start3A_6 : memref<100000x64xf32, #tpu.memory_space<hbm>>) target(%arg7 : memref<512x64xf32, #tpu.memory_space<vmem>>) offsets(%arg5 : memref<512xi32, #tpu.memory_space<vmem>>) semaphore(%arg9 : memref<!tpu.dma_semaphore, #tpu.memory_space<semaphore_mem>>)
    %scan3A = arith.constant 0 : i32
    %scan3A_7 = arith.constant 0 : i32
    %scan3A_8 = arith.constant 25 : i32
    %scan3A_9 = arith.addi %scan3A_7, %scan3A_8 : i32
    %scan3A_10 = arith.constant 1 : i32
    scf.for %scan3A_12 = %scan3A_7 to %scan3A_9 step %scan3A_10  : i32 {
      %mul3A_13 = arith.constant 2 : i32
      %mul3A_14 = arith.muli %mul3A_13, %scan3A_12 : i32
      %add3A_15 = arith.constant 1 : i32
      %add3A_16 = arith.addi %mul3A_14, %add3A_15 : i32
      %mul3A_17 = arith.constant 512 : i32
      %mul3A_18 = arith.muli %add3A_16, %mul3A_17 : i32
      %add3A_19 = arith.addi %mul3A_2, %mul3A_18 : i32
      "tpu.region"() ({
        %run_scoped3A = tpu.sem_alloc : memref<!tpu.dma_semaphore, #tpu.memory_space<semaphore_mem>>
        %dma_start3A_43 = tpu.memref_slice %arg3[%add3A_19] : memref<819200xi32, #tpu.memory_space<hbm>> -> memref<512xi32, #tpu.memory_space<hbm>>
        %dma_start3A_44 = tpu.memref_slice %arg3[%add3A_19] : memref<819200xi32, #tpu.memory_space<hbm>> -> memref<512xi32, #tpu.memory_space<hbm>>
        tpu.enqueue_dma source(%dma_start3A_44 : memref<512xi32, #tpu.memory_space<hbm>>) target(%arg6 : memref<512xi32, #tpu.memory_space<vmem>>) target_semaphore(%run_scoped3A : memref<!tpu.dma_semaphore, #tpu.memory_space<semaphore_mem>>)
        %dma_wait3A_45 = tpu.memref_slice %arg3[%add3A_19] : memref<819200xi32, #tpu.memory_space<hbm>> -> memref<512xi32, #tpu.memory_space<hbm>>
        %dma_wait3A_46 = tpu.memref_slice %arg3[%add3A_19] : memref<819200xi32, #tpu.memory_space<hbm>> -> memref<512xi32, #tpu.memory_space<hbm>>
        tpu.wait_dma2 semaphore(%run_scoped3A : memref<!tpu.dma_semaphore, #tpu.memory_space<semaphore_mem>>) src(%dma_wait3A_46 : memref<512xi32, #tpu.memory_space<hbm>>) dst(%arg6 : memref<512xi32, #tpu.memory_space<vmem>>)
        tpu.yield
      }) : () -> ()
      %dma_wait3A = arith.constant 0 : i32
      %dma_wait3A_20 = arith.constant 0 : i32
      %dma_wait3A_21 = tpu.memref_slice %arg2[%dma_wait3A, %dma_wait3A_20] : memref<100000x64xf32, #tpu.memory_space<hbm>> -> memref<100000x64xf32, #tpu.memory_space<hbm>>
      tpu.wait_indirect_dma semaphore(%arg9 : memref<!tpu.dma_semaphore, #tpu.memory_space<semaphore_mem>>) src(%dma_wait3A_21 : memref<100000x64xf32, #tpu.memory_space<hbm>>) dst(%arg7 : memref<512x64xf32, #tpu.memory_space<vmem>>)
      %dma_start3A_22 = arith.constant 0 : i32
      %dma_start3A_23 = arith.constant 0 : i32
      %dma_start3A_24 = tpu.memref_slice %arg2[%dma_start3A_22, %dma_start3A_23] : memref<100000x64xf32, #tpu.memory_space<hbm>> -> memref<100000x64xf32, #tpu.memory_space<hbm>>
      tpu.enqueue_indirect_dma source(%dma_start3A_24 : memref<100000x64xf32, #tpu.memory_space<hbm>>) target(%arg8 : memref<512x64xf32, #tpu.memory_space<vmem>>) offsets(%arg6 : memref<512xi32, #tpu.memory_space<vmem>>) semaphore(%arg10 : memref<!tpu.dma_semaphore, #tpu.memory_space<semaphore_mem>>)
      %mul3A_25 = arith.constant 512 : i32
      %mul3A_26 = arith.muli %mul3A_14, %mul3A_25 : i32
      %add3A_27 = arith.addi %mul3A_2, %mul3A_26 : i32
      "tpu.region"() ({
        %run_scoped3A = tpu.sem_alloc : memref<!tpu.dma_semaphore, #tpu.memory_space<semaphore_mem>>
        %dma_start3A_43 = arith.constant 0 : i32
        %dma_start3A_44 = tpu.memref_slice %arg4[%add3A_27, %dma_start3A_43] : memref<819200x128xf32, #tpu.memory_space<hbm>> -> memref<512x64xf32, #tpu.memory_space<hbm>>
        %dma_start3A_45 = arith.constant 0 : i32
        %dma_start3A_46 = tpu.memref_slice %arg4[%add3A_27, %dma_start3A_45] : memref<819200x128xf32, #tpu.memory_space<hbm>> -> memref<512x64xf32, #tpu.memory_space<hbm>>
        tpu.enqueue_dma source(%arg7 : memref<512x64xf32, #tpu.memory_space<vmem>>) target(%dma_start3A_46 : memref<512x64xf32, #tpu.memory_space<hbm>>) target_semaphore(%run_scoped3A : memref<!tpu.dma_semaphore, #tpu.memory_space<semaphore_mem>>)
        %dma_wait3A_47 = arith.constant 0 : i32
        %dma_wait3A_48 = tpu.memref_slice %arg4[%add3A_27, %dma_wait3A_47] : memref<819200x128xf32, #tpu.memory_space<hbm>> -> memref<512x64xf32, #tpu.memory_space<hbm>>
        %dma_wait3A_49 = arith.constant 0 : i32
        %dma_wait3A_50 = tpu.memref_slice %arg4[%add3A_27, %dma_wait3A_49] : memref<819200x128xf32, #tpu.memory_space<hbm>> -> memref<512x64xf32, #tpu.memory_space<hbm>>
        tpu.wait_dma2 semaphore(%run_scoped3A : memref<!tpu.dma_semaphore, #tpu.memory_space<semaphore_mem>>) src(%arg7 : memref<512x64xf32, #tpu.memory_space<vmem>>) dst(%dma_wait3A_50 : memref<512x64xf32, #tpu.memory_space<hbm>>)
        tpu.yield
      }) : () -> ()
      %lt3A = arith.constant 24 : i32
      %lt3A_28 = arith.cmpi slt, %scan3A_12, %lt3A : i32
      %convert_element_type3A = arith.extui %lt3A_28 : i1 to i32
      %cond3A = arith.constant 0 : i32
      %cond3A_29 = arith.cmpi ne, %convert_element_type3A, %cond3A : i32
      scf.if %cond3A_29 {
        %add3A_43 = arith.constant 2 : i32
        %add3A_44 = arith.addi %mul3A_14, %add3A_43 : i32
        %mul3A_45 = arith.constant 512 : i32
        %mul3A_46 = arith.muli %add3A_44, %mul3A_45 : i32
        %add3A_47 = arith.addi %mul3A_2, %mul3A_46 : i32
        "tpu.region"() ({
          %run_scoped3A = tpu.sem_alloc : memref<!tpu.dma_semaphore, #tpu.memory_space<semaphore_mem>>
          %dma_start3A_48 = tpu.memref_slice %arg3[%add3A_47] : memref<819200xi32, #tpu.memory_space<hbm>> -> memref<512xi32, #tpu.memory_space<hbm>>
          %dma_start3A_49 = tpu.memref_slice %arg3[%add3A_47] : memref<819200xi32, #tpu.memory_space<hbm>> -> memref<512xi32, #tpu.memory_space<hbm>>
          tpu.enqueue_dma source(%dma_start3A_49 : memref<512xi32, #tpu.memory_space<hbm>>) target(%arg5 : memref<512xi32, #tpu.memory_space<vmem>>) target_semaphore(%run_scoped3A : memref<!tpu.dma_semaphore, #tpu.memory_space<semaphore_mem>>)
          %dma_wait3A_50 = tpu.memref_slice %arg3[%add3A_47] : memref<819200xi32, #tpu.memory_space<hbm>> -> memref<512xi32, #tpu.memory_space<hbm>>
          %dma_wait3A_51 = tpu.memref_slice %arg3[%add3A_47] : memref<819200xi32, #tpu.memory_space<hbm>> -> memref<512xi32, #tpu.memory_space<hbm>>
          tpu.wait_dma2 semaphore(%run_scoped3A : memref<!tpu.dma_semaphore, #tpu.memory_space<semaphore_mem>>) src(%dma_wait3A_51 : memref<512xi32, #tpu.memory_space<hbm>>) dst(%arg5 : memref<512xi32, #tpu.memory_space<vmem>>)
          tpu.yield
        }) : () -> ()
      } else {
      }
      %dma_wait3A_30 = arith.constant 0 : i32
      %dma_wait3A_31 = arith.constant 0 : i32
      %dma_wait3A_32 = tpu.memref_slice %arg2[%dma_wait3A_30, %dma_wait3A_31] : memref<100000x64xf32, #tpu.memory_space<hbm>> -> memref<100000x64xf32, #tpu.memory_space<hbm>>
      tpu.wait_indirect_dma semaphore(%arg10 : memref<!tpu.dma_semaphore, #tpu.memory_space<semaphore_mem>>) src(%dma_wait3A_32 : memref<100000x64xf32, #tpu.memory_space<hbm>>) dst(%arg8 : memref<512x64xf32, #tpu.memory_space<vmem>>)
      %lt3A_33 = arith.constant 24 : i32
      %lt3A_34 = arith.cmpi slt, %scan3A_12, %lt3A_33 : i32
      %convert_element_type3A_35 = arith.extui %lt3A_34 : i1 to i32
      %cond3A_36 = arith.constant 0 : i32
      %cond3A_37 = arith.cmpi ne, %convert_element_type3A_35, %cond3A_36 : i32
      scf.if %cond3A_37 {
        %dma_start3A_43 = arith.constant 0 : i32
        %dma_start3A_44 = arith.constant 0 : i32
        %dma_start3A_45 = tpu.memref_slice %arg2[%dma_start3A_43, %dma_start3A_44] : memref<100000x64xf32, #tpu.memory_space<hbm>> -> memref<100000x64xf32, #tpu.memory_space<hbm>>
        tpu.enqueue_indirect_dma source(%dma_start3A_45 : memref<100000x64xf32, #tpu.memory_space<hbm>>) target(%arg7 : memref<512x64xf32, #tpu.memory_space<vmem>>) offsets(%arg5 : memref<512xi32, #tpu.memory_space<vmem>>) semaphore(%arg9 : memref<!tpu.dma_semaphore, #tpu.memory_space<semaphore_mem>>)
      } else {
      }
      %add3A_38 = arith.constant 1 : i32
      %add3A_39 = arith.addi %mul3A_14, %add3A_38 : i32
      %mul3A_40 = arith.constant 512 : i32
      %mul3A_41 = arith.muli %add3A_39, %mul3A_40 : i32
      %add3A_42 = arith.addi %mul3A_2, %mul3A_41 : i32
      "tpu.region"() ({
        %run_scoped3A = tpu.sem_alloc : memref<!tpu.dma_semaphore, #tpu.memory_space<semaphore_mem>>
        %dma_start3A_43 = arith.constant 0 : i32
        %dma_start3A_44 = tpu.memref_slice %arg4[%add3A_42, %dma_start3A_43] : memref<819200x128xf32, #tpu.memory_space<hbm>> -> memref<512x64xf32, #tpu.memory_space<hbm>>
        %dma_start3A_45 = arith.constant 0 : i32
        %dma_start3A_46 = tpu.memref_slice %arg4[%add3A_42, %dma_start3A_45] : memref<819200x128xf32, #tpu.memory_space<hbm>> -> memref<512x64xf32, #tpu.memory_space<hbm>>
        tpu.enqueue_dma source(%arg8 : memref<512x64xf32, #tpu.memory_space<vmem>>) target(%dma_start3A_46 : memref<512x64xf32, #tpu.memory_space<hbm>>) target_semaphore(%run_scoped3A : memref<!tpu.dma_semaphore, #tpu.memory_space<semaphore_mem>>)
        %dma_wait3A_47 = arith.constant 0 : i32
        %dma_wait3A_48 = tpu.memref_slice %arg4[%add3A_42, %dma_wait3A_47] : memref<819200x128xf32, #tpu.memory_space<hbm>> -> memref<512x64xf32, #tpu.memory_space<hbm>>
        %dma_wait3A_49 = arith.constant 0 : i32
        %dma_wait3A_50 = tpu.memref_slice %arg4[%add3A_42, %dma_wait3A_49] : memref<819200x128xf32, #tpu.memory_space<hbm>> -> memref<512x64xf32, #tpu.memory_space<hbm>>
        tpu.wait_dma2 semaphore(%run_scoped3A : memref<!tpu.dma_semaphore, #tpu.memory_space<semaphore_mem>>) src(%arg8 : memref<512x64xf32, #tpu.memory_space<vmem>>) dst(%dma_wait3A_50 : memref<512x64xf32, #tpu.memory_space<hbm>>)
        tpu.yield
      }) : () -> ()
    }
    %scan3A_11 = arith.constant 25 : i32
    return
  }
}

module attributes {stable_mosaic.version = 14 : i64} {
  func.func @_merge_body(%arg0: i32, %arg1: memref<1xf32, #tpu.memory_space<smem>>, %arg2: memref<10000x64xf32, #tpu.memory_space<vmem>>, %arg3: memref<10000x128xbf16, #tpu.memory_space<vmem>>, %arg4: memref<128x64xbf16, #tpu.memory_space<vmem>>, %arg5: memref<5000x128xf32, #tpu.memory_space<vmem>>) attributes {dimension_semantics = [#tpu.dimension_semantics<arbitrary>], iteration_bounds = array<i64: 10>, scalar_prefetch = 0 : i64, scratch_operands = 0 : i64, tpu.core_type = #tpu.core_type<tc>, window_params = [{transform_indices = @transform_0, window_bounds = array<i64: 1>}, {transform_indices = @transform_1, window_bounds = array<i64: 10000, 64>}, {transform_indices = @transform_2, window_bounds = array<i64: 10000, 128>}, {pipeline_mode = #tpu.pipeline_mode<synchronous>, transform_indices = @transform_3, window_bounds = array<i64: 128, 64>}, {transform_indices = @transform_4, window_bounds = array<i64: 5000, 128>}]} {
    %get3A = arith.constant 0 : index
    %get3A_0 = arith.constant 0 : index
    %get3A_1 = vector.load %arg3[%get3A, %get3A_0] : memref<10000x128xbf16, #tpu.memory_space<vmem>>, vector<10000x128xbf16>
    %get3A_2 = arith.constant 0 : index
    %get3A_3 = arith.constant 0 : index
    %get3A_4 = vector.load %arg4[%get3A_2, %get3A_3] : memref<128x64xbf16, #tpu.memory_space<vmem>>, vector<128x64xbf16>
    %dot_general3A = arith.constant dense<0.000000e+00> : vector<10000x64xf32>
    %dot_general3A_5 = tpu.matmul %get3A_1, %get3A_4, %dot_general3A {dimension_numbers = #tpu.dot_dimension_numbers<[1], [0], [0], [1], [0, 0, 1, 1], [], []>, transpose_lhs_hint = false} : vector<10000x128xbf16>, vector<128x64xbf16>, vector<10000x64xf32> -> vector<10000x64xf32>
    %get3A_6 = arith.constant 0 : index
    %get3A_7 = arith.constant 0 : index
    %get3A_8 = vector.load %arg2[%get3A_6, %get3A_7] : memref<10000x64xf32, #tpu.memory_space<vmem>>, vector<10000x64xf32>
    %get3A_9 = arith.constant 0 : index
    %get3A_10 = memref.load %arg1[%get3A_9] : memref<1xf32, #tpu.memory_space<smem>>
    %mul3A = vector.broadcast %get3A_10 : f32 to vector<10000x64xf32>
    %mul3A_11 = arith.mulf %mul3A, %dot_general3A_5 : vector<10000x64xf32>
    %add3A = arith.addf %get3A_8, %mul3A_11 : vector<10000x64xf32>
    %reshape3A = vector.shape_cast %add3A : vector<10000x64xf32> to vector<5000x2x64xf32>
    %slice3A = vector.extract_strided_slice %reshape3A {offsets = [0, 0, 0], sizes = [5000, 1, 64], strides = [1, 1, 1]} : vector<5000x2x64xf32> to vector<5000x1x64xf32>
    %squeeze3A = vector.shape_cast %slice3A : vector<5000x1x64xf32> to vector<5000x64xf32>
    %swap3A = arith.constant 0 : index
    %swap3A_12 = arith.constant 0 : index
    %swap3A_13 = vector.load %arg5[%swap3A, %swap3A_12] : memref<5000x128xf32, #tpu.memory_space<vmem>>, vector<5000x64xf32>
    tpu.vector_store %arg5[%swap3A, %swap3A_12], %squeeze3A {strides = array<i32>} : memref<5000x128xf32, #tpu.memory_space<vmem>>, vector<5000x64xf32>,
    %slice3A_14 = vector.extract_strided_slice %reshape3A {offsets = [0, 1, 0], sizes = [5000, 1, 64], strides = [1, 1, 1]} : vector<5000x2x64xf32> to vector<5000x1x64xf32>
    %squeeze3A_15 = vector.shape_cast %slice3A_14 : vector<5000x1x64xf32> to vector<5000x64xf32>
    %swap3A_16 = arith.constant 0 : index
    %swap3A_17 = arith.constant 64 : index
    %swap3A_18 = vector.load %arg5[%swap3A_16, %swap3A_17] : memref<5000x128xf32, #tpu.memory_space<vmem>>, vector<5000x64xf32>
    tpu.vector_store %arg5[%swap3A_16, %swap3A_17], %squeeze3A_15 {strides = array<i32>} : memref<5000x128xf32, #tpu.memory_space<vmem>>, vector<5000x64xf32>,
    return
  }
  func.func @transform_0(%arg0: i32) -> i32 {
    %c0_i32 = arith.constant 0 : i32
    %c0_i32_0 = arith.constant 0 : i32
    return %c0_i32 : i32
  }
  func.func @transform_1(%arg0: i32) -> (i32, i32) {
    %c0_i32 = arith.constant 0 : i32
    %c0_i32_0 = arith.constant 0 : i32
    return %arg0, %c0_i32 : i32, i32
  }
  func.func @transform_2(%arg0: i32) -> (i32, i32) {
    %c0_i32 = arith.constant 0 : i32
    %c0_i32_0 = arith.constant 0 : i32
    return %arg0, %c0_i32 : i32, i32
  }
  func.func @transform_3(%arg0: i32) -> (i32, i32) {
    %c0_i32 = arith.constant 0 : i32
    %c0_i32_0 = arith.constant 0 : i32
    %c0_i32_1 = arith.constant 0 : i32
    return %c0_i32, %c0_i32_0 : i32, i32
  }
  func.func @transform_4(%arg0: i32) -> (i32, i32) {
    %c0_i32 = arith.constant 0 : i32
    %c0_i32_0 = arith.constant 0 : i32
    return %arg0, %c0_i32 : i32, i32
  }
}

</mosaic_0001>

<sc_bundles>
// kernel: kernel.4.cloned.1.call-start
scs
__scs_entry_jumppad:
0x0: {  	(pc) =	sbr.rel $0x88, $3  }
0x1: {  	(tag) =	ssettag $0x0;
	lr =	simm.s32 $0x1  }
0x2: {  	[smem:$0x3F9C] =	sst lr;
	_ =	strace $0xD0000000  }
0x3: {  	_ = 	snop  }
0x4: {  	_ = 	snop  }
0x5: {  	_ = 	snop  }
0x6: {  	_ = 	snop  }
0x7: {  	_ = 	snop  }
__scs_overlays_trampoline_lowered:
0x8: {  	[smem:$0x3FAB] =	sst s0  }
0x9: {  	[smem:$0x3FAC] =	sst s1  }
0xa: {  	[smem:$0x3FAD] =	sst s2  }
0xb: {  	[smem:$0x3FAE] =	sst s3  }
0xc: {  	[smem:$0x3FAF] =	sst s4  }
0xd: {  	[smem:$0x3FB0] =	sst s5  }
0xe: {  	[smem:$0x3FB1] =	sst s6  }
0xf: {  	[smem:$0x3FB2] =	sst s7  }
0x10: {  	[smem:$0x3FB3] =	sst s8  }
0x11: {  	[smem:$0x3FB4] =	sst s9;
	s0 =	simm.s32 @!p0 $0x0  }
0x12: {  	s1 =	sld [smem:$0x3F9A];
	s0 =	simm.s32 @p0 $0x1  }
0x13: {  	[smem:$0x3FB5] =	sst s0;
	s0 =	simm.s32 @!p1 $0x0  }
0x14: {  	s2 =	sld [smem:$0x3F99];
	s0 =	simm.s32 @p1 $0x1  }
0x15: {  	[smem:$0x3FB6] =	sst s0;
	s0 =	simm.s32 @!p2 $0x0  }
0x16: {  	s3 =	sld [smem:$0x3FDB];
	s0 =	simm.s32 @p2 $0x1  }
0x17: {  	s4 =	simm.s32 $0x1BF5;
	[smem:$0x3FB8] =	sst s0  }
0x18: {  	s0 =	sld [smem:$0x3F9B];
	_ =	swait.ge [sflag:s4], $0x0  }
0x19: {  	s7 =	sld [smem:$0x3F9C]  }
0x1a: {  	s8 =	sadd.s32 $0xFFFFE003, lr  }
0x1b: {  	s9 =	sadd.s32 $0xFFFFFEF7, lr;
	s5 =	simm.s32 $0xFFFFFFFF;
	p2 =	slt.u32 s8, $0xFFFFF086  }
0x1c: {  	p1 =	slt.u32 s9, $0xF7A;
	s5 =	simm.s32 @!p2 $0x0  }
0x1d: {  	s5 =	simm.s32 @p1 $0x1;
	p0 =	seq.s32 s7, s2  }
0x1e: {  	s7 =	smul.u32 @!p0 $0xF7A, s2;
	p2 =	seq.s32 @!p0 s5, $0x0  }
0x1f: {  	s9 =	smul.u32 $0xF7A, s1;
	s8 =	simm.s32 @!p0 $0x1BF5;
	p2 =	por !p2, p0  }
0x20: {  	[sflag:s8] =	ssyncset.s32 @!p0 $0xFFFFF086;
	s6 =	sadd.s32 @!p0 s3, s7;
	s7 =	simm.s32 @!p0 $0x108  }
0x21: {  	s3 =	sadd.s32 s3, s9;
	s6 =	sadd.s32 @!p0 $0x88, s6;
	s7 =	simm.s32 @p2 $0x1082  }
0x22: {  	[simem:s7], [sflag:s8] =	dma.local @!p0 [hbm:s6], $0xF7A  }
0x23: {  	s9 =	sor.u32 $0xD0000000, s2;
	s6 =	simm.s32 $0x108;
	_ =	swait.ge @!p0 [sflag:s8], $0x0  }
0x24: {  	s3 =	sadd.s32 $0x88, s3;
	s6 =	simm.s32 @!p1 $0x1082;
	[sflag:s4] =	ssyncset.s32 $0xFFFFF086  }
0x25: {  	[simem:s6], [sflag:s4] =	dma.local [hbm:s3], $0xF7A  }
0x26: {  	[smem:$0x3F9C] =	sst s1;
	(tag) =	ssettag s2;
	_ =	strace s9  }
0x27: {  	s1 =	sld [smem:$0x3FAC]  }
0x28: {  	s2 =	sld [smem:$0x3FAD]  }
0x29: {  	s4 =	sld [smem:$0x3FAF]  }
0x2a: {  	p0 =	seq.s32 s5, $0x0;
	s5 =	sld [smem:$0x3FB0]  }
0x2b: {  	s6 =	sld [smem:$0x3FB1]  }
0x2c: {  	s7 =	sld [smem:$0x3FB2]  }
0x2d: {  	s3 =	simm.s32 $0x108;
	s8 =	sld [smem:$0x3FB3]  }
0x2e: {  	s3 =	simm.s32 @!p0 $0x1082;
	s9 =	sld [smem:$0x3FB4]  }
0x2f: {  	lr =	sadd.s32 s0, s3;
	s0 =	sld [smem:$0x3FAB]  }
0x30: {  	s3 =	sld [smem:$0x3FAE]  }
0x31: {  	[smem:$0x3FB7] =	sst s10  }
0x32: {  	s10 =	sld [smem:$0x3FB5];
	_ =	sdelay $0x3  }
0x33: {  	p0 =	seq.s32 s10, $0x1;
	s10 =	sld [smem:$0x3FB7];
	_ =	sdelay $0x3  }
0x34: {  	[smem:$0x3FB7] =	sst s10  }
0x35: {  	s10 =	sld [smem:$0x3FB6];
	_ =	sdelay $0x3  }
0x36: {  	p1 =	seq.s32 s10, $0x1;
	s10 =	sld [smem:$0x3FB7];
	_ =	sdelay $0x3  }
0x37: {  	[smem:$0x3FB7] =	sst s10  }
0x38: {  	s10 =	sld [smem:$0x3FB8]  }
0x39: {  	_ = 	snop;
	(pc) =	sbr.ind lr, $3  }
0x3a: {  	_ = 	snop  }
0x3b: {  	_ = 	snop  }
0x3c: {  	p2 =	seq.s32 s10, $0x1;
	s10 =	sld [smem:$0x3FB7]  }
0x3d: {  	_ =	shalt  }
0x3e: {  	_ =	shalt  }
0x3f: {  	_ =	shalt  }
0x40: {  	_ =	shalt  }
0x41: {  	_ =	shalt  }
0x42: {  	_ =	shalt  }
0x43: {  	_ =	shalt  }
0x44: {  	_ =	shalt  }
0x45: {  	_ =	shalt  }
0x46: {  	_ =	shalt  }
0x47: {  	_ =	shalt  }
0x48: {  	_ =	shalt  }
0x49: {  	_ =	shalt  }
0x4a: {  	_ =	shalt  }
0x4b: {  	_ =	shalt  }
0x4c: {  	_ =	shalt  }
0x4d: {  	_ =	shalt  }
0x4e: {  	_ =	shalt  }
0x4f: {  	_ =	shalt  }
0x50: {  	_ =	shalt  }
0x51: {  	_ =	shalt  }
0x52: {  	_ =	shalt  }
0x53: {  	_ =	shalt  }
0x54: {  	_ =	shalt  }
0x55: {  	_ =	shalt  }
0x56: {  	_ =	shalt  }
0x57: {  	_ =	shalt  }
0x58: {  	_ =	shalt  }
0x59: {  	_ =	shalt  }
0x5a: {  	_ =	shalt  }
0x5b: {  	_ =	shalt  }
0x5c: {  	_ =	shalt  }
0x5d: {  	_ =	shalt  }
0x5e: {  	_ =	shalt  }
0x5f: {  	_ =	shalt  }
0x60: {  	_ =	shalt  }
0x61: {  	_ =	shalt  }
0x62: {  	_ =	shalt  }
0x63: {  	_ =	shalt  }
0x64: {  	_ =	shalt  }
0x65: {  	_ =	shalt  }
0x66: {  	_ =	shalt  }
0x67: {  	_ =	shalt  }
0x68: {  	_ =	shalt  }
0x69: {  	_ =	shalt  }
0x6a: {  	_ =	shalt  }
0x6b: {  	_ =	shalt  }
0x6c: {  	_ =	shalt  }
0x6d: {  	_ =	shalt  }
0x6e: {  	_ =	shalt  }
0x6f: {  	_ =	shalt  }
0x70: {  	_ =	shalt  }
0x71: {  	_ =	shalt  }
0x72: {  	_ =	shalt  }
0x73: {  	_ =	shalt  }
0x74: {  	_ =	shalt  }
0x75: {  	_ =	shalt  }
0x76: {  	_ =	shalt  }
0x77: {  	_ =	shalt  }
0x78: {  	_ =	shalt  }
0x79: {  	_ =	shalt  }
0x7a: {  	_ =	shalt  }
0x7b: {  	_ =	shalt  }
0x7c: {  	_ =	shalt  }
0x7d: {  	_ =	shalt  }
0x7e: {  	_ =	shalt  }
0x7f: {  	_ =	shalt  }
0x80: {  	_ =	shalt  }
0x81: {  	_ =	shalt  }
0x82: {  	_ =	shalt  }
0x83: {  	_ =	shalt  }
0x84: {  	_ =	shalt  }
0x85: {  	_ =	shalt  }
0x86: {  	_ =	shalt  }
0x87: {  	_ =	shalt  }
.Lfunc_end0:
.L_simem_size_0:
called_computation.1_lowered:
.L_overlay_start_0:
0x88: {  	s2 =	sld [smem:$0x3FD9]  }
0x89: {  	s3 =	sld [smem:$0x3FFE];
	_ =	sdelay $0x1  }
0x8a: {  	s1 =	srdreg.scid  }
0x8b: {  	s0 =	sand.u32 $0x1, s1  }
0x8c: {  	s16 =	sshll.u32 s0, $0xA;
	s2 =	sadd.s32 s3, s2  }
0x8d: {  	s2 =	sadd.s32 s2, s16  }
0x8e: {  	[smem:$0x3FC3] =	sst s2  }
0x8f: {  	_ = 	snop  }
0x90: {  	(tm) =	ssettm $0x1  }
0x91: {  	s17 =	sld [smem:$0x3FFB];
	_ =	sdelay $0x3  }
0x92: {  	_ =	strace s17  }
0x93: {  	s2 =	sld [smem:$0x3FFC];
	_ =	sdelay $0x3  }
0x94: {  	_ =	strace s2  }
0x95: {  	s2 =	sld [smem:$0x3FFD];
	_ =	sdelay $0x3  }
0x96: {  	_ =	strace s2  }
0x97: {  	_ =	strace $0x8FFFFFFF  }
0x98: {  	s18 =	sld [smem:$0x3FDB];
	_ =	sdelay $0x1  }
0x99: {  	s19 =	simm.s32 $_scs_section_size  }
0x9a: {  	s4 =	simm.s32 $_size__tile_overlayer_lowered;
	s5 =	simm.s32 $_tile_overlayer_lowered  }
0x9b: {  	s22 =	simm.s32 $0x1BFF;
	s21 =	sshll.u32 s5, $0x1;
	s2 =	sadd.s32 s19, s18  }
0x9c: {  	s6 =	simm.s32 $0x0;
	s20 =	sshll.u32 s4, $0x1;
	s4 =	sadd.s32 s21, s2  }
0x9d: {  	[timem:s6], [sflag:s22] =	dma.local [hbm:s4], s20  }
0x9e: {  	_ =	swait.ge [sflag:s22], s20  }
0x9f: {  	s3 =	ssub.s32 $0x0, s20;
	[sflag:s22] =	ssyncset.done $0x0  }
0xa0: {  	[sflag:s22] =	ssyncadd.s32 s3;
	_ =	sdelay $0x1  }
0xa1: {  	s23 =	simm.s32 $0x1B8B  }
0xa2: {  	_ =	swait.ge [sflag:s23], $0x1  }
0xa3: {  	[sflag:s23] =	ssyncset.done $0x0  }
0xa4: {  	s25 =	simm.s32 $0x1B8E;
	s24 =	sld [smem:$0x3FFE];
	[sflag:s23] =	ssyncadd.s32 $0xFFFFFFFF  }
0xa5: {  	s26 =	simm.s32 $execute0_lowered;
	[smem:$0x3FD2] =	sst s25  }
0xa6: {  	s4 =	sshll.u32 s26, $0x1;
	_ =	strace $0x80000046;
	[dreg:$0x1] =	wrdreg $0xFFFFFFFF  }
0xa7: {  	s28 =	simm.s32 $_size_execute0_lowered;
	s2 =	sadd.s32 s2, s4;
	[dreg:$0x0] =	wrdreg $0x0  }
0xa8: {  	s4 =	sshll.u32 s28, $0x1;
	[dreg:$0x2] =	wrdreg s2  }
0xa9: {  	[dreg:$0x3] =	wrdreg s4  }
0xaa: {  	[dreg:$0x4] =	wrdreg $0xC0  }
0xab: {  	_ =	task [dreg:s6], $0x5FFFF  }
0xac: {  	[dreg:$0x1] =	wrdreg $0xFFFFFFFF  }
0xad: {  	[dreg:$0x0] =	wrdreg $0x60  }
0xae: {  	[dreg:$0x2] =	wrdreg s24  }
0xaf: {  	[dreg:$0x3] =	wrdreg $0x9  }
0xb0: {  	_ =	task.clear_ibuf [dreg:s6], $0x4FFFF;
	_ =	strace $0x90000046  }
0xb1: {  	s29 =	simm.s32 $0x9;
	_ =	strace $0x80000048  }
0xb2: {  	_ =	swait.ge [sflag:s29], $0x1  }
0xb3: {  	[sflag:s29] =	ssyncadd.s32 $0xFFFFFFFF  }
0xb4: {  	_ =	strace $0x90000048  }
0xb5: {  	_ =	sfence  }
0xb6: {  	s30 =	sld [smem:$0x0];
	_ =	sdelay $0x2  }
0xb7: {  	s31 =	sshll.u32 s1, $0xD;
	s1 =	sshrl.u32 s1, $0x2  }
0xb8: {  	s3 =	sand.u32 $0x4000, s31;
	s1 =	sadd.s32 s1, s30  }
0xb9: {  	s0 =	sor.u32 s3, s0;
	s1 =	sshll.u32 s1, $0x11  }
0xba: {  	s0 =	sor.u32 s1, s0  }
0xbb: {  	s0 =	sadd.s32 $0x8F2B, s0  }
0xbc: {  	[sflag:s0] =	ssyncadd.remote.s32 $0x1  }
0xbd: {  	_ =	sfence.sel $0xFFFF  }
0xbe: {  	[dreg:$0x0] =	wrdreg $0xFFFFFFFF;
	(pc) =	sbr.abs _section_cstart, $3  }
0xbf: {  	[dreg:$0x1] =	wrdreg $0xFFFFFFFF  }
0xc0: {  	_ =	task.clear_ibuf [dreg:s6], $0x2FFFF;
	_ =	strace $0x9FFFFFFF  }
0xc1: {  	(tm) =	ssettm $0x7FFFFFFF  }
tec
execute0_lowered:
.L_overlay_start_1:
0x0: {  	(tag) =	ssettag $0x1  }
0x1: {  	s5 =	rddreg [dreg:$0x0]  }
0x2: {  	s0 =	rddreg [dreg:$0x1];
	s2 =	simm.s32 $0x0;
	s3 =	srdreg.scid  }
0x3: {  	s1 =	stileid.u32;
	s17 =	simm.s32 $0x1;
	s18 =	simm.s32 $0x8400  }
0x4: {  	s19 =	simm.s32 $0x40;
	s20 =	simm.s32 $0x80;
	s21 =	simm.s32 $0x2  }
0x5: {  	s22 =	simm.s32 $0x0;
	[smem:$0x7FF] =	sst s2;
	s11 =	smul.u32 $0x640000, s1  }
0x6: {  	s6 =	sand.u32 $0x1, s3;
	s24 =	sshll.u32 s1, $0x1;
	s14 =	smul.u32 $0xC800, s1  }
0x7: {  	s3 =	sadd.s32 $0x19A00, s5;
	s4 =	sadd.s32 $0x800, s5;
	s26 =	smul.u32 $0x320000, s6  }
0x8: {  	s7 =	sor.u32 s6, s24;
	s25 =	ssub.s32 $0x2, s6;
	s16 =	smul.u32 $0x6400, s6  }
0x9: {  	s12 =	sadd.s32 $0xDD000, s5;
	s8 =	smul.u32 $0x6400, s7;
	s9 =	sshrl.u32 s25, $0x1  }
0xa: {  	_ =	strace $0x80000047;
	s7 =	smul.u32 $0x320000, s7;
	s9 =	ssub.s32 s25, s9  }
0xb: {  	s29 =	sadd.s32 s16, s14;
	s14 =	simm.s32 $0x3;
	s16 =	simm.s32 $0x400  }
0xc: {  	s10 =	sshrl.u32 s8, $0x3;
	s13 =	sadd.s32 $0x6200, s8;
	s7 =	sshrl.u32 s7, $0x3  }
0xd: {  	s6 =	smax.u32 s9, $0x1;
	s30 =	sor.u32 $0x200, s29;
	s5 =	sadd.s32 s4, s10  }
0xe: {  	s8 =	sshrl.u32 s13, $0x3;
	s15 =	sadd.s32 s12, s7;
	s28 =	sshll.u32 s13, $0x4  }
0xf: {  	s10 =	sadd.s32 s26, s11;
	s31 =	sshll.u32 s30, $0x4;
	s13 =	sshrl.u32 s30, $0x3  }
0x10: {  	s11 =	sadd.s32 $0x400, s29;
	s7 =	sadd.s32 s4, s8;
	s8 =	sadd.s32 $0x60000, s15  }
0x11: {  	s9 =	sadd.s32 s12, s28;
	s10 =	sshrl.u32 s10, $0x3;
	s13 =	sadd.s32 s13, s4  }
0x12: {  	s15 =	simm.s32 $0x200;
	s10 =	sadd.s32 s10, s12;
	s12 =	sadd.s32 s31, s12  }
.LBB2_1:
0x13: {  	[tilespmem:s2], [sflag:$0x3] =	stream.linear.gather [hbm4b:s5+s2], $0x200, $0x38;
	[tilespmem:$0x10400] =	vst v63  }
0x14: {  	_ =	swait.ge [sflag:s14], $0x200  }
0x15: {  	[sflag:s14] =	ssyncset.done $0x0  }
0x16: {  	[sflag:s14] =	ssyncadd.s32 $0xFFFFFE00  }
0x17: {  	[tilespmem:s16], [sflag:$0x1] =	stream.indirect.gather [hbm4b:s3+s15], $0x40, s2, s15, $0xb8;
	[tilespmem:$0x10400] =	vst v63  }
0x18: {  	_ = 	snop  }
0x19: {  	[tilespmem:s15], [sflag:$0x3] =	stream.linear.gather [hbm4b:s13+s2], $0x200, $0x38;
	[tilespmem:$0x10400] =	vst v63  }
0x1a: {  	_ =	swait.ge [sflag:s14], $0x200  }
0x1b: {  	[sflag:s14] =	ssyncset.done $0x0  }
0x1c: {  	[sflag:s14] =	ssyncadd.s32 $0xFFFFFE00  }
0x1d: {  	_ =	swait.ge [sflag:s17], $0x8000  }
0x1e: {  	[sflag:s17] =	ssyncset.done $0x0  }
0x1f: {  	[sflag:s17] =	ssyncadd.s32 $0xFFFF8000  }
0x20: {  	[tilespmem:s18], [sflag:$0x2] =	stream.indirect.gather [hbm4b:s3+s15], $0x40, s15, s15, $0xb8;
	[tilespmem:$0x10400] =	vst v63  }
0x21: {  	s23 =	sadd.s32 $0x0, s10  }
0x22: {  	[hbm4b:s23+s19] =	stream.strided.scatter [tilespmem:s16], [sflag:$0x3], $0x8000, s20, s19, $0x38;
	[tilespmem:$0x10400] =	vst v63  }
0x23: {  	_ =	swait.ge [sflag:s14], $0x8000  }
0x24: {  	s30 =	sshrl.u32 s11, $0x3;
	[sflag:s14] =	ssyncset.done $0x0  }
0x25: {  	s23 =	sadd.s32 s4, s30;
	[sflag:s14] =	ssyncadd.s32 $0xFFFF8000  }
0x26: {  	[tilespmem:s2], [sflag:$0x3] =	stream.linear.gather [hbm4b:s23+s2], $0x200, $0x38;
	[tilespmem:$0x10400] =	vst v63  }
0x27: {  	_ =	swait.ge [sflag:s14], $0x200  }
0x28: {  	[sflag:s14] =	ssyncset.done $0x0  }
0x29: {  	[sflag:s14] =	ssyncadd.s32 $0xFFFFFE00  }
0x2a: {  	_ =	swait.ge [sflag:s21], $0x8000  }
0x2b: {  	[sflag:s21] =	ssyncset.done $0x0  }
0x2c: {  	[sflag:s21] =	ssyncadd.s32 $0xFFFF8000  }
0x2d: {  	[tilespmem:s16], [sflag:$0x1] =	stream.indirect.gather [hbm4b:s3+s15], $0x40, s2, s15, $0xb8;
	[tilespmem:$0x10400] =	vst v63  }
0x2e: {  	s31 =	sadd.s32 $0x0, s12  }
0x2f: {  	[hbm4b:s31+s19] =	stream.strided.scatter [tilespmem:s18], [sflag:$0x3], $0x8000, s20, s19, $0x38;
	[tilespmem:$0x10400] =	vst v63  }
0x30: {  	s24 =	smov.u32 s11;
	_ =	swait.ge [sflag:s14], $0x8000  }
0x31: {  	s25 =	smov.u32 s13;
	s23 =	simm.s32 $0x4000;
	[sflag:s14] =	ssyncset.done $0x0  }
.LBB2_2:
0x32: {  	[sflag:s14] =	ssyncadd.s32 $0xFFFF8000;
	s24 =	sadd.s32 $0x400, s24;
	s25 =	sadd.s32 $0x80, s25  }
0x33: {  	p0 =	sne.s32 s23, $0x5C000;
	s26 =	smov.u32 s23;
	s23 =	sadd.s32 $0x4000, s23  }
0x34: {  	[tilespmem:s15], [sflag:$0x3] =	stream.linear.gather [hbm4b:s25+s2], $0x200, $0x38;
	[tilespmem:$0x10400] =	vst v63  }
0x35: {  	_ =	swait.ge [sflag:s14], $0x200  }
0x36: {  	[sflag:s14] =	ssyncset.done $0x0  }
0x37: {  	[sflag:s14] =	ssyncadd.s32 $0xFFFFFE00  }
0x38: {  	_ =	swait.ge [sflag:s17], $0x8000  }
0x39: {  	[sflag:s17] =	ssyncset.done $0x0  }
0x3a: {  	[sflag:s17] =	ssyncadd.s32 $0xFFFF8000  }
0x3b: {  	[tilespmem:s18], [sflag:$0x2] =	stream.indirect.gather [hbm4b:s3+s15], $0x40, s15, s15, $0xb8;
	[tilespmem:$0x10400] =	vst v63  }
0x3c: {  	s28 =	sadd.s32 s26, s10  }
0x3d: {  	[hbm4b:s28+s19] =	stream.strided.scatter [tilespmem:s16], [sflag:$0x3], $0x8000, s20, s19, $0x38;
	[tilespmem:$0x10400] =	vst v63  }
0x3e: {  	_ =	swait.ge [sflag:s14], $0x8000  }
0x3f: {  	s28 =	sshrl.u32 s24, $0x3;
	[sflag:s14] =	ssyncset.done $0x0  }
0x40: {  	s28 =	sadd.s32 s4, s28;
	[sflag:s14] =	ssyncadd.s32 $0xFFFF8000  }
0x41: {  	[tilespmem:s2], [sflag:$0x3] =	stream.linear.gather [hbm4b:s28+s2], $0x200, $0x38;
	[tilespmem:$0x10400] =	vst v63  }
0x42: {  	_ =	swait.ge [sflag:s14], $0x200  }
0x43: {  	[sflag:s14] =	ssyncset.done $0x0  }
0x44: {  	[sflag:s14] =	ssyncadd.s32 $0xFFFFFE00  }
0x45: {  	_ =	swait.ge [sflag:s21], $0x8000  }
0x46: {  	[sflag:s21] =	ssyncset.done $0x0  }
0x47: {  	[sflag:s21] =	ssyncadd.s32 $0xFFFF8000  }
0x48: {  	[tilespmem:s16], [sflag:$0x1] =	stream.indirect.gather [hbm4b:s3+s15], $0x40, s2, s15, $0xb8;
	[tilespmem:$0x10400] =	vst v63  }
.Ltmp0:
0x49: {  	_ = 	snop;
	(pc) =	sbr.rel @p0 .LBB2_2-.Ltmp0, $4  }
0x4a: {  	s26 =	sadd.s32 s26, s12  }
0x4b: {  	[hbm4b:s26+s19] =	stream.strided.scatter [tilespmem:s18], [sflag:$0x3], $0x8000, s20, s19, $0x38;
	[tilespmem:$0x10400] =	vst v63  }
0x4c: {  	_ =	swait.ge [sflag:s14], $0x8000  }
0x4d: {  	[sflag:s14] =	ssyncset.done $0x0  }
0x4e: {  	[sflag:s14] =	ssyncadd.s32 $0xFFFF8000  }
0x4f: {  	[tilespmem:s15], [sflag:$0x3] =	stream.linear.gather [hbm4b:s7+s2], $0x200, $0x38;
	[tilespmem:$0x10400] =	vst v63  }
0x50: {  	_ =	swait.ge [sflag:s14], $0x200  }
0x51: {  	[sflag:s14] =	ssyncset.done $0x0  }
0x52: {  	[sflag:s14] =	ssyncadd.s32 $0xFFFFFE00  }
0x53: {  	_ =	swait.ge [sflag:s17], $0x8000  }
0x54: {  	[sflag:s17] =	ssyncset.done $0x0  }
0x55: {  	[sflag:s17] =	ssyncadd.s32 $0xFFFF8000  }
0x56: {  	[tilespmem:s18], [sflag:$0x2] =	stream.indirect.gather [hbm4b:s3+s15], $0x40, s15, s15, $0xb8;
	[tilespmem:$0x10400] =	vst v63  }
0x57: {  	_ = 	snop  }
0x58: {  	[hbm4b:s8+s19] =	stream.strided.scatter [tilespmem:s16], [sflag:$0x3], $0x8000, s20, s19, $0x38;
	[tilespmem:$0x10400] =	vst v63  }
0x59: {  	_ =	swait.ge [sflag:s14], $0x8000  }
0x5a: {  	[sflag:s14] =	ssyncset.done $0x0  }
0x5b: {  	[sflag:s14] =	ssyncadd.s32 $0xFFFF8000  }
0x5c: {  	s22 =	sadd.s32 $0x1, s22;
	_ =	swait.ge [sflag:s21], $0x8000  }
0x5d: {  	p0 =	sne.s32 s22, s6;
	[sflag:s21] =	ssyncset.done $0x0  }
.Ltmp1:
0x5e: {  	[sflag:s21] =	ssyncadd.s32 $0xFFFF8000;
	(pc) =	sbr.rel @p0 .LBB2_1-.Ltmp1, $4  }
0x5f: {  	[hbm4b:s9+s19] =	stream.strided.scatter [tilespmem:s18], [sflag:$0x3], $0x8000, s20, s19, $0x38;
	[tilespmem:$0x10400] =	vst v63  }
0x60: {  	_ =	swait.ge [sflag:s14], $0x8000  }
0x61: {  	[sflag:s14] =	ssyncset.done $0x0  }
0x62: {  	[sflag:s14] =	ssyncadd.s32 $0xFFFF8000  }
0x63: {  	_ =	sfence.sel $0x180000  }
0x64: {  	[bflag:$0x0] =	sbarrier.arrive $0xFFFF  }
0x65: {  	p0 =	sne.s32 s1, $0x0;
	_ =	strace $0x90000047  }
0x66: {  	s0 =	sadd.s32 @!p0 $0x100000, s0;
	[bflag:$0x2] =	sbarrier.arrive $0xFFFF  }
0x67: {  	[sflag:s0] =	ssyncadd.tile.s32 @!p0 $0x1;
	_ =	shalt  }
.Lfunc_end2:
_tile_overlayer_lowered:
.L_overlay_start_2:
0x68: {  	(tag) =	ssettag $0x2  }
0x69: {  	s0 =	rddreg [dreg:$0x0];
	s2 =	stileid.u32  }
0x6a: {  	s1 =	rddreg [dreg:$0x1];
	p0 =	sne.s32 s2, $0x0  }
0x6b: {  	s3 =	rddreg [dreg:$0x2];
	[bflag:$0x3] =	sbarrier.arrive $0xFFFF;
	s2 =	simm.s32 @!p0 $0x1C03  }
0x6c: {  	[timem:s3], [sflag:s2] =	dma.local @!p0 [hbm:s0], s1  }
0x6d: {  	s0 =	simm.s32 @!p0 $0x3  }
0x6e: {  	_ =	swait.ge @!p0 [sflag:s0], s1  }
0x6f: {  	s1 =	ssub.s32 @!p0 $0x0, s1;
	[sflag:s0] =	ssyncset.done @!p0 $0x0  }
0x70: {  	[sflag:s0] =	ssyncadd.s32 @!p0 s1  }
0x71: {  	[bflag:$0x3] =	sbarrier.arrive $0xFFFF  }
0x72: {  	_ =	shalt  }

// kernel: sparse-core-data-format-call.cloned.1.call-start
scs
called_computation_lowered:
.L_overlay_start_0:
0x0: {  	s2 =	sld [smem:$0x3FD9]  }
0x1: {  	s3 =	sld [smem:$0x3FFE];
	_ =	sdelay $0x1  }
0x2: {  	s1 =	srdreg.scid  }
0x3: {  	s0 =	sand.u32 $0x1, s1  }
0x4: {  	s18 =	sshll.u32 s0, $0xA;
	s2 =	sadd.s32 s3, s2  }
0x5: {  	s2 =	sadd.s32 s2, s18  }
0x6: {  	[smem:$0x3FC3] =	sst s2  }
0x7: {  	_ = 	snop  }
0x8: {  	s2 =	sld [smem:$0x3FD0];
	(tm) =	ssettm $0x1  }
0x9: {  	s19 =	sld [smem:$0x3FFB];
	_ =	sdelay $0x3  }
0xa: {  	_ =	strace s19  }
0xb: {  	s3 =	sld [smem:$0x3FFC];
	_ =	sdelay $0x3  }
0xc: {  	_ =	strace s3  }
0xd: {  	s3 =	sld [smem:$0x3FFD];
	_ =	sdelay $0x3  }
0xe: {  	_ =	strace s3  }
0xf: {  	_ =	strace $0x8FFFFFFF  }
0x10: {  	s20 =	sld [smem:$0x3FDB];
	_ =	sdelay $0x1  }
0x11: {  	s4 =	simm.s32 $_scs_section_size  }
0x12: {  	s5 =	simm.s32 $_size__tile_overlayer_lowered;
	s6 =	simm.s32 $_tile_overlayer_lowered  }
0x13: {  	s23 =	simm.s32 $0x1BFF;
	s22 =	sshll.u32 s6, $0x1;
	s3 =	sadd.s32 s4, s20  }
0x14: {  	s7 =	simm.s32 $0x0;
	s21 =	sshll.u32 s5, $0x1;
	s5 =	sadd.s32 s22, s3  }
0x15: {  	[timem:s7], [sflag:s23] =	dma.local [hbm:s5], s21  }
0x16: {  	_ =	swait.ge [sflag:s23], s21  }
0x17: {  	s4 =	ssub.s32 $0x0, s21;
	[sflag:s23] =	ssyncset.done $0x0  }
0x18: {  	[sflag:s23] =	ssyncadd.s32 s4;
	_ =	sdelay $0x1  }
0x19: {  	s24 =	simm.s32 $0x1B8B  }
0x1a: {  	_ =	swait.ge [sflag:s24], $0x1  }
0x1b: {  	[sflag:s24] =	ssyncset.done $0x0  }
0x1c: {  	s26 =	simm.s32 $0x1B8E;
	s25 =	sld [smem:$0x3FFE];
	[sflag:s24] =	ssyncadd.s32 $0xFFFFFFFF  }
0x1d: {  	s27 =	simm.s32 $execute0_lowered;
	[smem:$0x3FD2] =	sst s26  }
0x1e: {  	s5 =	sshll.u32 s27, $0x1;
	_ =	strace $0x80000049;
	[dreg:$0x1] =	wrdreg $0xFFFFFFFF  }
0x1f: {  	s28 =	simm.s32 $_size_execute0_lowered;
	s3 =	sadd.s32 s3, s5;
	[dreg:$0x0] =	wrdreg $0x0  }
0x20: {  	s5 =	sshll.u32 s28, $0x1;
	[dreg:$0x2] =	wrdreg s3  }
0x21: {  	[dreg:$0x3] =	wrdreg s5  }
0x22: {  	[dreg:$0x4] =	wrdreg $0xC0  }
0x23: {  	_ =	task [dreg:s7], $0x5FFFF  }
0x24: {  	[dreg:$0x1] =	wrdreg $0xFFFFFFFF  }
0x25: {  	[dreg:$0x0] =	wrdreg $0x60  }
0x26: {  	[dreg:$0x2] =	wrdreg s25  }
0x27: {  	[dreg:$0x3] =	wrdreg s2  }
0x28: {  	[dreg:$0x4] =	wrdreg $0x9  }
0x29: {  	_ =	task.clear_ibuf [dreg:s7], $0x5FFFF;
	_ =	strace $0x90000049  }
0x2a: {  	s29 =	simm.s32 $0x9;
	_ =	strace $0x8000004B  }
0x2b: {  	_ =	swait.ge [sflag:s29], $0x1  }
0x2c: {  	[sflag:s29] =	ssyncadd.s32 $0xFFFFFFFF  }
0x2d: {  	_ =	strace $0x9000004B  }
0x2e: {  	_ =	sfence  }
0x2f: {  	s30 =	sld [smem:$0x0];
	_ =	sdelay $0x2  }
0x30: {  	s31 =	sshll.u32 s1, $0xD;
	s1 =	sshrl.u32 s1, $0x2  }
0x31: {  	s3 =	sand.u32 $0x4000, s31;
	s1 =	sadd.s32 s1, s30  }
0x32: {  	s0 =	sor.u32 s3, s0;
	s1 =	sshll.u32 s1, $0x11  }
0x33: {  	s0 =	sor.u32 s1, s0  }
0x34: {  	s0 =	sadd.s32 $0x8F2B, s0  }
0x35: {  	[sflag:s0] =	ssyncadd.remote.s32 $0x1  }
0x36: {  	_ =	sfence.sel $0xFFFF  }
0x37: {  	[dreg:$0x0] =	wrdreg $0xFFFFFFFF;
	(pc) =	sbr.abs _section_cstart, $3  }
0x38: {  	[dreg:$0x1] =	wrdreg $0xFFFFFFFF  }
0x39: {  	_ =	task.clear_ibuf [dreg:s7], $0x2FFFF;
	_ =	strace $0x9FFFFFFF  }
0x3a: {  	(tm) =	ssettm $0x7FFFFFFF  }
0x3b: {  	_ =	shalt  }
tec
execute0_lowered:
.L_overlay_start_1:
0x0: {  	(tag) =	ssettag $0x1  }
0x1: {  	s0 =	srdreg.scid  }
0x2: {  	s1 =	sshll.u32 s0, $0x4  }
0x3: {  	s0 =	stileid.u32;
	s1 =	sand.u32 $0x10, s1  }
0x4: {  	s1 =	sor.u32 s0, s1  }
0x5: {  	s6 =	rddreg [dreg:$0x0];
	s4 =	simm.s32 $0x1;
	s2 =	sshll.u32 s1, $0x7  }
0x6: {  	s7 =	simm.s32 $0x2;
	s12 =	simm.s32 $0x0;
	s1 =	ssub.s32 $0x1000, s2  }
0x7: {  	s8 =	simm.s32 $0x8000;
	s13 =	simm.s32 $0x0;
	s3 =	sand.u32 $0xF80, s1  }
0x8: {  	s9 =	simm.s32 $0x0;
	s5 =	sshrl.u32 s1, $0xC;
	p0 =	sne.s32 s3, $0x0  }
.Ltmp0:
0x9: {  	s1 =	rddreg [dreg:$0x2];
	s4 =	simm.s32 @!p0 $0x0;
	(pc) =	sbr.rel .LBB1_1-.Ltmp0, $4  }
0xa: {  	s11 =	simm.s32 $0x0;
	s3 =	rddreg [dreg:$0x1];
	s5 =	sadd.s32 s4, s5  }
0xb: {  	_ =	strace $0x8000004A;
	s4 =	simm.s32 $0x1;
	s5 =	smul.u32 $0xC8, s5  }
0xc: {  	s6 =	sadd.s32 $0xDD000, s6;
	s10 =	smov.u32 s2;
	[sflag:s4] =	ssyncpa.u1 $0x0  }
0xd: {  	p0 =	por $0x0, $0x0;
	[sflag:s7] =	ssyncpa.u1 $0x0;
	s7 =	sor.u32 $0x1, s5  }
.LBB1_4:
0xe: {  	s16 =	sshll.u32 s13, $0x3;
	s17 =	sand.u32 $0x78, s13  }
0xf: {  	s30 =	sand.u32 $0x7E00, s13;
	s12 =	sshll.u32 s12, $0xF;
	s16 =	sand.u32 $0xC00, s16  }
0x10: {  	[tilespmem:s15+$0x810 ss:$0x81] =	vst.msk $0xffff, v2;
	s31 =	sand.u32 $0x7, s13;
	s16 =	sor.u32 s17, s16;
	s17 =	sadd.s32 s3, s30  }
0x11: {  	[tilespmem:s15+$0x1020 ss:$0x81] =	vst.msk $0xffff, v0;
	s13 =	sshll.u32 s31, $0x12;
	s12 =	sadd.s32 s12, s17;
	s16 =	sshrl.u32 s16, $0x3  }
0x12: {  	[tilespmem:s15+$0x0 ss:$0x81] =	vst.msk $0xffff, v1;
	s13 =	sor.u32 $0x400, s13;
	s12 =	sadd.s32 s16, s12  }
0x13: {  	[hbm4b:s12+s13] =	stream.strided.scatter [tilespmem:s14], [sflag:$0x2], $0x2000, s8, s13, $0x20;
	[tilespmem:$0x8080] =	vst v63  }
.LBB1_5:
0x14: {  	s14 =	sadd.s32 $0x1, s9  }
0x15: {  	s12 =	sadd.s32 $0x1000, s10;
	s16 =	smov.u32 s10;
	p2 =	sgt.s32 s14, $0xC7  }
0x16: {  	s16 =	smov.u32 @p2 s12  }
0x17: {  	s14 =	simm.s32 @p2 $0x0;
	p2 =	sgt.s32 s16, $0xFFF  }
0x18: {  	s16 =	smov.u32 @p2 s2;
	p2 =	sne.s32 s11, s7  }
.Ltmp1:
0x19: {  	p1 =	slt.u32 s11, $0x2;
	(pc) =	sbr.rel @!p2 .LBB1_6-.Ltmp1, $4  }
0x1a: {  	s15 =	simm.s32 @!p1 $0x2  }
0x1b: {  	s13 =	smov.u32 s10;
	p0 =	por !p0, !p0;
	_ =	swait.ge @!p1 [sflag:s15], $0x2000  }
0x1c: {  	s12 =	smov.u32 s9;
	[sflag:s15] =	ssyncset.done @!p1 $0x0;
	s9 =	smov.u32 s14  }
0x1d: {  	s11 =	sadd.s32 $0x1, s11;
	[sflag:s15] =	ssyncadd.s32 @!p1 $0xFFFFE000;
	s10 =	smov.u32 s16  }
.LBB1_1:
0x1e: {  	p1 =	sge.u32 s11, s5  }
0x1f: {  	s14 =	sand.u32 @!p1 $0x1FFFFFF, s9  }
0x20: {  	s15 =	smulhi.u32 @!p1 $0x147AE15, s14;
	_ =	sdelay $0x1  }
0x21: {  	s15 =	smul.u32 @!p1 $0xC8, s15  }
0x22: {  	s16 =	sxor.u32 @!p1 $0xFFFFFFFF, s11;
	s17 =	smul.u32 @!p1 $0xC80, s10  }
0x23: {  	s31 =	sadd.s32 $0xFFFFFFFF, s11;
	s16 =	sshll.u32 @!p1 s16, $0xD;
	s14 =	ssub.s32 @!p1 s14, s15  }
0x24: {  	s15 =	sand.u32 @!p1 $0x2000, s16;
	s16 =	sadd.s32 @!p1 s6, s17;
	s14 =	sshll.u32 @!p1 s14, $0x4  }
0x25: {  	s17 =	simm.s32 @!p1 $0x6400;
	s14 =	sadd.s32 @!p1 s14, s16;
	s16 =	simm.s32 @!p1 $0x40  }
0x26: {  	[tilespmem:s15], [sflag:$0x1] =	stream.strided.gather @!p1 [hbm4b:s14+s16], $0x2000, s17, s16, $0x38;
	[tilespmem:$0x8080] =	vst v63  }
0x27: {  	p1 =	sge.u32 s31, s5  }
.Ltmp2:
0x28: {  	_ = 	snop;
	(pc) =	sbr.rel @p1 .LBB1_5-.Ltmp2, $1  }
0x29: {  	_ =	sdelay $0x3  }
0x2a: {  	s14 =	simm.s32 $0x1  }
0x2b: {  	_ =	swait.ge [sflag:s4], $0x2000;
	s14 =	simm.s32 @!p0 $0x0  }
0x2c: {  	[sflag:s4] =	ssyncset.done $0x0;
	s15 =	sshll.u32 s14, $0xD  }
0x2d: {  	[sflag:s4] =	ssyncadd.s32 $0xFFFFE000;
	s18 =	sor.u32 $0x20, s15  }
0x2e: {  	s14 =	smul.u32 $0x8100, s14;
	v3 =	vld [tilespmem:s18+$0x10]  }
0x2f: {  	s30 =	sand.u32 $0x1, s11;
	v2 =	vld [tilespmem:s18+$0xFFFFFFF0]  }
0x30: {  	s15 =	smul.u32 $0x8100, s30;
	s14 =	sshrl.u32 s14, $0x2;
	v0 =	vld [tilespmem:s18+$0x0]  }
0x31: {  	v1 =	vld [tilespmem:s18+$0xFFFFFFE0];
	s16 =	sor.u32 $0x4000, s14  }
0x32: {  	s31 =	sshrl.u32 s15, $0x2;
	s15 =	sadd.s32 $0x0, s16  }
0x33: {  	s17 =	simm.s32 $0x4;
	s18 =	sadd.s32 $0x40, s18;
	s14 =	sor.u32 $0x4000, s31;
	[tilespmem:s15+$0x1830 ss:$0x81] =	vst.msk $0xffff, v3  }
.LBB1_3:
0x34: {  	v3 =	vld [tilespmem:s18+$0x10];
	p1 =	sne.s32 s17, $0x1FC;
	[tilespmem:s15+$0x810 ss:$0x81] =	vst.msk $0xffff, v2;
	s19 =	smov.u32 s17;
	s17 =	sadd.s32 $0x4, s17  }
.Ltmp3:
0x35: {  	v2 =	vld [tilespmem:s18+$0xFFFFFFF0];
	[tilespmem:s15+$0x1020 ss:$0x81] =	vst.msk $0xffff, v0;
	(pc) =	sbr.rel @p1 .LBB1_3-.Ltmp3, $4  }
0x36: {  	v0 =	vld [tilespmem:s18+$0x0];
	[tilespmem:s15+$0x0 ss:$0x81] =	vst.msk $0xffff, v1  }
0x37: {  	s15 =	sshra.s32 s19, $0x2;
	v1 =	vld [tilespmem:s18+$0xFFFFFFE0]  }
0x38: {  	s15 =	sadd.s32 s15, s16  }
0x39: {  	s18 =	sadd.s32 $0x40, s18;
	[tilespmem:s15+$0x1830 ss:$0x81] =	vst.msk $0xffff, v3  }
.Ltmp4:
0x3a: {  	_ = 	snop;
	(pc) =	sbr.rel .LBB1_4-.Ltmp4, $1  }
0x3b: {  	_ =	sdelay $0x3  }
.LBB1_6:
0x3c: {  	_ =	sfence.sel $0x180000  }
0x3d: {  	s2 =	simm.s32 $0x1;
	[bflag:$0x0] =	sbarrier.arrive $0xFFFF  }
0x3e: {  	s31 =	simm.s32 $0x2;
	[sflag:s2] =	ssyncpa.u1 $0x1  }
0x3f: {  	[sflag:s31] =	ssyncpa.u1 $0x1  }
0x40: {  	p0 =	sne.s32 s0, $0x0;
	_ =	strace $0x9000004A  }
0x41: {  	s0 =	sadd.s32 @!p0 $0x100000, s1;
	[bflag:$0x2] =	sbarrier.arrive $0xFFFF  }
0x42: {  	[sflag:s0] =	ssyncadd.tile.s32 @!p0 $0x1;
	_ =	shalt  }
.Lfunc_end1:
_tile_overlayer_lowered:
.L_overlay_start_2:
0x43: {  	(tag) =	ssettag $0x2  }
0x44: {  	s0 =	rddreg [dreg:$0x0];
	s2 =	stileid.u32  }
0x45: {  	s1 =	rddreg [dreg:$0x1];
	p0 =	sne.s32 s2, $0x0  }
0x46: {  	s3 =	rddreg [dreg:$0x2];
	[bflag:$0x3] =	sbarrier.arrive $0xFFFF;
	s2 =	simm.s32 @!p0 $0x1C01  }
0x47: {  	[timem:s3], [sflag:s2] =	dma.local @!p0 [hbm:s0], s1  }
0x48: {  	s0 =	simm.s32 @!p0 $0x1  }
0x49: {  	_ =	swait.ge @!p0 [sflag:s0], s1  }
0x4a: {  	s1 =	ssub.s32 @!p0 $0x0, s1;
	[sflag:s0] =	ssyncset.done @!p0 $0x0  }
0x4b: {  	[sflag:s0] =	ssyncadd.s32 @!p0 s1  }
0x4c: {  	[bflag:$0x3] =	sbarrier.arrive $0xFFFF  }
0x4d: {  	_ =	shalt  }

</sc_bundles>
